<compile_context>
chip_gen: v7x
topology: tpu7x:2x2x1
jax: 0.10.2.dev20260603
libtpu: 0.0.44.dev20260713+nightly
codegen_flags: <defaults>
</compile_context>

<pallas_src>
import functools

import jax
import jax.numpy as jnp
from jax import lax
from jax.experimental import pallas as pl
from jax.experimental.pallas import tpu as pltpu
from jax.experimental.pallas import tpu_sc as plsc


def _sc_gather(edge_idx, drug_emb, disease_emb, chunk_base=0, chunk_e=None):
    e = chunk_e if chunk_e is not None else edge_idx.shape[1]
    d = drug_emb.shape[1]
    info = plsc.get_sparse_core_info()
    nc, ns = info.num_cores, info.num_subcores
    nw = nc * ns
    b = e // nw
    hb = b // 2
    mesh = plsc.VectorSubcoreMesh(core_axis_name="c", subcore_axis_name="s")

    @functools.partial(
        pl.kernel,
        mesh=mesh,
        out_type=(
            jax.ShapeDtypeStruct((e, d), jnp.float32),
            jax.ShapeDtypeStruct((e, d), jnp.float32),
        ),
        scratch_types=[
            pltpu.VMEM((b,), jnp.int32),
            pltpu.VMEM((b,), jnp.int32),
            pltpu.VMEM((hb, d), jnp.float32),
            pltpu.VMEM((hb, d), jnp.float32),
            pltpu.SemaphoreType.DMA,
            pltpu.SemaphoreType.DMA,
            pltpu.SemaphoreType.DMA,
            pltpu.SemaphoreType.DMA,
        ],
    )
    def gather_kernel(drug_hbm, dis_hbm, idx_hbm, d_out, s_out,
                      idx_d, idx_s, buf_a, buf_b, sem_a, sem_b, sem_wa, sem_wb):
        wid = lax.axis_index("s") * nc + lax.axis_index("c")
        base = wid * b
        pltpu.sync_copy(idx_hbm.at[0, pl.ds(chunk_base + base, b)], idx_d)
        pltpu.sync_copy(idx_hbm.at[1, pl.ds(chunk_base + base, b)], idx_s)
        ga0 = pltpu.async_copy(drug_hbm.at[idx_d.at[pl.ds(0, hb)]], buf_a, sem_a)
        gb0 = pltpu.async_copy(drug_hbm.at[idx_d.at[pl.ds(hb, hb)]], buf_b, sem_b)
        ga0.wait()
        wa0 = pltpu.async_copy(buf_a, d_out.at[pl.ds(base, hb)], sem_wa)
        gb0.wait()
        wb0 = pltpu.async_copy(buf_b, d_out.at[pl.ds(base + hb, hb)], sem_wb)
        wa0.wait()
        ga1 = pltpu.async_copy(dis_hbm.at[idx_s.at[pl.ds(0, hb)]], buf_a, sem_a)
        wb0.wait()
        gb1 = pltpu.async_copy(dis_hbm.at[idx_s.at[pl.ds(hb, hb)]], buf_b, sem_b)
        ga1.wait()
        wa1 = pltpu.async_copy(buf_a, s_out.at[pl.ds(base, hb)], sem_wa)
        gb1.wait()
        wb1 = pltpu.async_copy(buf_b, s_out.at[pl.ds(base + hb, hb)], sem_wb)
        wa1.wait()
        wb1.wait()

    return gather_kernel(drug_emb, disease_emb, edge_idx)


def _sigmoid(x):
    return 0.5 * jnp.tanh(0.5 * x) + 0.5


def _mlp_block_kernel(dlo_ref, dhi_ref, slo_ref, shi_ref,
                      w1_ref, b1_ref, w2_ref, b2_ref, o_ref):
    dim = dlo_ref.shape[1]
    w1 = w1_ref[...].astype(jnp.bfloat16)
    w1a, w1b = w1[:dim], w1[dim:]
    b1v = b1_ref[...][None, :]
    w2v = w2_ref[...]
    b2v = b2_ref[0]

    def head(d_ref, s_ref):
        d_bf = d_ref[...].astype(jnp.bfloat16)
        s_bf = s_ref[...].astype(jnp.bfloat16)
        x = jnp.dot(d_bf, w1a, preferred_element_type=jnp.float32)
        x = x + jnp.dot(s_bf, w1b, preferred_element_type=jnp.float32)
        h = _sigmoid(x + b1v)
        y = jnp.dot(h, w2v, preferred_element_type=jnp.float32) + b2v
        return _sigmoid(y.T)

    lo = head(dlo_ref, slo_ref)
    hi = head(dhi_ref, shi_ref)
    o_ref[...] = jnp.concatenate([lo, hi], axis=0)


def _mlp(d_rows, s_rows, W1, b1, W2, b2, block_e=2048):
    e, dim = d_rows.shape
    half = e // 2
    nlo = half // block_e
    grid = (nlo,)
    out = pl.pallas_call(
        _mlp_block_kernel,
        grid=grid,
        in_specs=[
            pl.BlockSpec((block_e, dim), lambda i: (i, 0)),
            pl.BlockSpec((block_e, dim), lambda i: (i + nlo, 0)),
            pl.BlockSpec((block_e, dim), lambda i: (i, 0)),
            pl.BlockSpec((block_e, dim), lambda i: (i + nlo, 0)),
            pl.BlockSpec(W1.shape, lambda i: (0, 0)),
            pl.BlockSpec(b1.shape, lambda i: (0,)),
            pl.BlockSpec(W2.shape, lambda i: (0, 0)),
            pl.BlockSpec(b2.shape, lambda i: (0,)),
        ],
        out_specs=pl.BlockSpec((2, block_e), lambda i: (0, i)),
        out_shape=jax.ShapeDtypeStruct((2, half), jnp.float32),
        compiler_params=pltpu.CompilerParams(
            dimension_semantics=("parallel",),
        ),
    )(d_rows, d_rows, s_rows, s_rows, W1, b1, W2, b2)
    return out


def kernel(edge_index, drug_emb, disease_emb, W1, b1, W2, b2):
    edge_idx = edge_index.astype(jnp.int32)
    d_rows, s_rows = _sc_gather(edge_idx, drug_emb, disease_emb)
    return _mlp(d_rows, s_rows, W1, b1, W2, b2).reshape(-1, 1)

# --- scband reference (transcript-rebuilt; emitter-appended) ---
"""Pipeline reference for scband-discriminator-48043504173446 (READ-ONLY COPY).

The authoritative reference and input builder live on the scoring server;
editing this copy changes nothing except your own understanding.
"""

import jax, jax.numpy as jnp
import numpy as np

NUM_DRUGS = 100000
NUM_DISEASES = 100000
EMBED_DIM = 128
INPUT_SIZE = 2 * EMBED_DIM
E = 16384

def setup_inputs(seed: int = 0) -> dict:
    key = jax.random.key(seed)
    k_idx, k_drug, k_dis, k_w1, k_b1, k_w2, k_b2 = jax.random.split(key, 7)
    edge_index = jax.random.randint(k_idx, (2, E), 0, NUM_DRUGS, dtype=jnp.int64 if jax.config.read('jax_enable_x64') else jnp.int32)
    drug_emb = jax.random.normal(k_drug, (NUM_DRUGS, EMBED_DIM), dtype=jnp.float32)
    disease_emb = jax.random.normal(k_dis, (NUM_DISEASES, EMBED_DIM), dtype=jnp.float32)
    # Linear layers (PyTorch default init: U(-1/sqrt(fan_in), 1/sqrt(fan_in)))
    lim1 = 1.0 / np.sqrt(INPUT_SIZE)
    W1 = jax.random.uniform(k_w1, (INPUT_SIZE, 64), minval=-lim1, maxval=lim1, dtype=jnp.float32)
    b1 = jax.random.uniform(k_b1, (64,), minval=-lim1, maxval=lim1, dtype=jnp.float32)
    lim2 = 1.0 / np.sqrt(64)
    W2 = jax.random.uniform(k_w2, (64, 1), minval=-lim2, maxval=lim2, dtype=jnp.float32)
    b2 = jax.random.uniform(k_b2, (1,), minval=-lim2, maxval=lim2, dtype=jnp.float32)
    return {"edge_index": edge_index, "drug_emb": drug_emb, "disease_emb": disease_emb,
            "W1": W1, "b1": b1, "W2": W2, "b2": b2}

def reference(edge_index, drug_emb, disease_emb, W1, b1, W2, b2):
    d = jnp.take(drug_emb, edge_index[0], axis=0)
    s = jnp.take(disease_emb, edge_index[1], axis=0)
    x = jnp.concatenate([d, s], axis=1)
    x = jax.nn.sigmoid(x @ W1 + b1)
    x = jax.nn.sigmoid(x @ W2 + b2)
    return x

if __name__ == "__main__":
    import jax
    _d = setup_inputs()
    print(jax.jit(kernel)(*tuple(_d.values())))

</pallas_src>

<mosaic_0001>
#map = affine_map<(d0, d1) -> (0, 0)>
module attributes {stable_mosaic.version = 14 : i64} {
  func.func @gather_kernel(%arg0: i32, %arg1: i32, %arg2: memref<100000x128xf32, #tpu.memory_space<hbm>>, %arg3: memref<100000x128xf32, #tpu.memory_space<hbm>>, %arg4: memref<2x16384xi32, #tpu.memory_space<hbm>>, %arg5: memref<16384x128xf32, #tpu.memory_space<hbm>>, %arg6: memref<16384x128xf32, #tpu.memory_space<hbm>>, %arg7: memref<512xi32, #tpu.memory_space<vmem>>, %arg8: memref<512xi32, #tpu.memory_space<vmem>>, %arg9: memref<256x128xf32, #tpu.memory_space<vmem>>, %arg10: memref<256x128xf32, #tpu.memory_space<vmem>>, %arg11: memref<!tpu.dma_semaphore, #tpu.memory_space<semaphore_mem>>, %arg12: memref<!tpu.dma_semaphore, #tpu.memory_space<semaphore_mem>>, %arg13: memref<!tpu.dma_semaphore, #tpu.memory_space<semaphore_mem>>, %arg14: memref<!tpu.dma_semaphore, #tpu.memory_space<semaphore_mem>>) attributes {dimension_semantics = [#tpu.dimension_semantics<core_parallel>, #tpu.dimension_semantics<subcore_parallel>], iteration_bounds = array<i64: 2, 16>, scalar_prefetch = 0 : i64, scratch_operands = 8 : i64, tpu.core_type = #tpu.core_type<sc_vector_subcore>, window_params = [{transform_indices = #map}, {transform_indices = #map}, {transform_indices = #map}, {transform_indices = #map}, {transform_indices = #map}]} {
    %mul3A = arith.constant 2 : i32
    %mul3A_0 = arith.muli %arg1, %mul3A : i32
    %add3A = arith.addi %mul3A_0, %arg0 : i32
    %mul3A_1 = arith.constant 512 : i32
    %mul3A_2 = arith.muli %add3A, %mul3A_1 : i32
    %add3A_3 = arith.constant 0 : i32
    %add3A_4 = arith.addi %add3A_3, %mul3A_2 : i32
    %run_scoped3A = arith.constant 0 : i32
    "tpu.region"() ({
      %run_scoped3A_82 = tpu.sem_alloc : memref<!tpu.dma_semaphore, #tpu.memory_space<semaphore_mem>>
      %dma_start3A_83 = tpu.memref_slice %arg4[%run_scoped3A, %add3A_4] : memref<2x16384xi32, #tpu.memory_space<hbm>> -> memref<1x512xi32, #tpu.memory_space<hbm>>
      %dma_start3A_84 = tpu.memref_squeeze %dma_start3A_83 : memref<1x512xi32, #tpu.memory_space<hbm>> -> memref<512xi32, #tpu.memory_space<hbm>>
      %dma_start3A_85 = tpu.memref_slice %arg4[%run_scoped3A, %add3A_4] : memref<2x16384xi32, #tpu.memory_space<hbm>> -> memref<1x512xi32, #tpu.memory_space<hbm>>
      %dma_start3A_86 = tpu.memref_squeeze %dma_start3A_85 : memref<1x512xi32, #tpu.memory_space<hbm>> -> memref<512xi32, #tpu.memory_space<hbm>>
      tpu.enqueue_dma source(%dma_start3A_86 : memref<512xi32, #tpu.memory_space<hbm>>) target(%arg7 : memref<512xi32, #tpu.memory_space<vmem>>) target_semaphore(%run_scoped3A_82 : memref<!tpu.dma_semaphore, #tpu.memory_space<semaphore_mem>>)
      %dma_wait3A_87 = tpu.memref_slice %arg4[%run_scoped3A, %add3A_4] : memref<2x16384xi32, #tpu.memory_space<hbm>> -> memref<1x512xi32, #tpu.memory_space<hbm>>
      %dma_wait3A_88 = tpu.memref_squeeze %dma_wait3A_87 : memref<1x512xi32, #tpu.memory_space<hbm>> -> memref<512xi32, #tpu.memory_space<hbm>>
      %dma_wait3A_89 = tpu.memref_slice %arg4[%run_scoped3A, %add3A_4] : memref<2x16384xi32, #tpu.memory_space<hbm>> -> memref<1x512xi32, #tpu.memory_space<hbm>>
      %dma_wait3A_90 = tpu.memref_squeeze %dma_wait3A_89 : memref<1x512xi32, #tpu.memory_space<hbm>> -> memref<512xi32, #tpu.memory_space<hbm>>
      tpu.wait_dma2 semaphore(%run_scoped3A_82 : memref<!tpu.dma_semaphore, #tpu.memory_space<semaphore_mem>>) src(%dma_wait3A_90 : memref<512xi32, #tpu.memory_space<hbm>>) dst(%arg7 : memref<512xi32, #tpu.memory_space<vmem>>)
      tpu.yield
    }) : () -> ()
    %add3A_5 = arith.constant 0 : i32
    %add3A_6 = arith.addi %add3A_5, %mul3A_2 : i32
    %run_scoped3A_7 = arith.constant 1 : i32
    "tpu.region"() ({
      %run_scoped3A_82 = tpu.sem_alloc : memref<!tpu.dma_semaphore, #tpu.memory_space<semaphore_mem>>
      %dma_start3A_83 = tpu.memref_slice %arg4[%run_scoped3A_7, %add3A_6] : memref<2x16384xi32, #tpu.memory_space<hbm>> -> memref<1x512xi32, #tpu.memory_space<hbm>>
      %dma_start3A_84 = tpu.memref_squeeze %dma_start3A_83 : memref<1x512xi32, #tpu.memory_space<hbm>> -> memref<512xi32, #tpu.memory_space<hbm>>
      %dma_start3A_85 = tpu.memref_slice %arg4[%run_scoped3A_7, %add3A_6] : memref<2x16384xi32, #tpu.memory_space<hbm>> -> memref<1x512xi32, #tpu.memory_space<hbm>>
      %dma_start3A_86 = tpu.memref_squeeze %dma_start3A_85 : memref<1x512xi32, #tpu.memory_space<hbm>> -> memref<512xi32, #tpu.memory_space<hbm>>
      tpu.enqueue_dma source(%dma_start3A_86 : memref<512xi32, #tpu.memory_space<hbm>>) target(%arg8 : memref<512xi32, #tpu.memory_space<vmem>>) target_semaphore(%run_scoped3A_82 : memref<!tpu.dma_semaphore, #tpu.memory_space<semaphore_mem>>)
      %dma_wait3A_87 = tpu.memref_slice %arg4[%run_scoped3A_7, %add3A_6] : memref<2x16384xi32, #tpu.memory_space<hbm>> -> memref<1x512xi32, #tpu.memory_space<hbm>>
      %dma_wait3A_88 = tpu.memref_squeeze %dma_wait3A_87 : memref<1x512xi32, #tpu.memory_space<hbm>> -> memref<512xi32, #tpu.memory_space<hbm>>
      %dma_wait3A_89 = tpu.memref_slice %arg4[%run_scoped3A_7, %add3A_6] : memref<2x16384xi32, #tpu.memory_space<hbm>> -> memref<1x512xi32, #tpu.memory_space<hbm>>
      %dma_wait3A_90 = tpu.memref_squeeze %dma_wait3A_89 : memref<1x512xi32, #tpu.memory_space<hbm>> -> memref<512xi32, #tpu.memory_space<hbm>>
      tpu.wait_dma2 semaphore(%run_scoped3A_82 : memref<!tpu.dma_semaphore, #tpu.memory_space<semaphore_mem>>) src(%dma_wait3A_90 : memref<512xi32, #tpu.memory_space<hbm>>) dst(%arg8 : memref<512xi32, #tpu.memory_space<vmem>>)
      tpu.yield
    }) : () -> ()
    %dma_start3A = arith.constant 0 : i32
    %dma_start3A_8 = tpu.memref_slice %arg7[%dma_start3A] : memref<512xi32, #tpu.memory_space<vmem>> -> memref<256xi32, #tpu.memory_space<vmem>>
    %dma_start3A_9 = arith.constant 0 : i32
    %dma_start3A_10 = arith.constant 0 : i32
    %dma_start3A_11 = tpu.memref_slice %arg2[%dma_start3A_9, %dma_start3A_10] : memref<100000x128xf32, #tpu.memory_space<hbm>> -> memref<100000x128xf32, #tpu.memory_space<hbm>>
    tpu.enqueue_indirect_dma source(%dma_start3A_11 : memref<100000x128xf32, #tpu.memory_space<hbm>>) target(%arg9 : memref<256x128xf32, #tpu.memory_space<vmem>>) offsets(%dma_start3A_8 : memref<256xi32, #tpu.memory_space<vmem>>) semaphore(%arg11 : memref<!tpu.dma_semaphore, #tpu.memory_space<semaphore_mem>>)
    %dma_start3A_12 = arith.constant 256 : i32
    %dma_start3A_13 = tpu.memref_slice %arg7[%dma_start3A_12] : memref<512xi32, #tpu.memory_space<vmem>> -> memref<256xi32, #tpu.memory_space<vmem>>
    %dma_start3A_14 = arith.constant 0 : i32
    %dma_start3A_15 = arith.constant 0 : i32
    %dma_start3A_16 = tpu.memref_slice %arg2[%dma_start3A_14, %dma_start3A_15] : memref<100000x128xf32, #tpu.memory_space<hbm>> -> memref<100000x128xf32, #tpu.memory_space<hbm>>
    tpu.enqueue_indirect_dma source(%dma_start3A_16 : memref<100000x128xf32, #tpu.memory_space<hbm>>) target(%arg10 : memref<256x128xf32, #tpu.memory_space<vmem>>) offsets(%dma_start3A_13 : memref<256xi32, #tpu.memory_space<vmem>>) semaphore(%arg12 : memref<!tpu.dma_semaphore, #tpu.memory_space<semaphore_mem>>)
    %dma_wait3A = arith.constant 0 : i32
    %dma_wait3A_17 = tpu.memref_slice %arg7[%dma_wait3A] : memref<512xi32, #tpu.memory_space<vmem>> -> memref<256xi32, #tpu.memory_space<vmem>>
    %dma_wait3A_18 = arith.constant 0 : i32
    %dma_wait3A_19 = arith.constant 0 : i32
    %dma_wait3A_20 = tpu.memref_slice %arg2[%dma_wait3A_18, %dma_wait3A_19] : memref<100000x128xf32, #tpu.memory_space<hbm>> -> memref<100000x128xf32, #tpu.memory_space<hbm>>
    tpu.wait_indirect_dma semaphore(%arg11 : memref<!tpu.dma_semaphore, #tpu.memory_space<semaphore_mem>>) src(%dma_wait3A_20 : memref<100000x128xf32, #tpu.memory_space<hbm>>) dst(%arg9 : memref<256x128xf32, #tpu.memory_space<vmem>>)
    %dma_start3A_21 = arith.constant 0 : i32
    %dma_start3A_22 = tpu.memref_slice %arg5[%mul3A_2, %dma_start3A_21] : memref<16384x128xf32, #tpu.memory_space<hbm>> -> memref<256x128xf32, #tpu.memory_space<hbm>>
    %dma_start3A_23 = arith.constant 0 : i32
    %dma_start3A_24 = tpu.memref_slice %arg5[%mul3A_2, %dma_start3A_23] : memref<16384x128xf32, #tpu.memory_space<hbm>> -> memref<256x128xf32, #tpu.memory_space<hbm>>
    tpu.enqueue_dma source(%arg9 : memref<256x128xf32, #tpu.memory_space<vmem>>) target(%dma_start3A_24 : memref<256x128xf32, #tpu.memory_space<hbm>>) target_semaphore(%arg13 : memref<!tpu.dma_semaphore, #tpu.memory_space<semaphore_mem>>)
    %dma_wait3A_25 = arith.constant 256 : i32
    %dma_wait3A_26 = tpu.memref_slice %arg7[%dma_wait3A_25] : memref<512xi32, #tpu.memory_space<vmem>> -> memref<256xi32, #tpu.memory_space<vmem>>
    %dma_wait3A_27 = arith.constant 0 : i32
    %dma_wait3A_28 = arith.constant 0 : i32
    %dma_wait3A_29 = tpu.memref_slice %arg2[%dma_wait3A_27, %dma_wait3A_28] : memref<100000x128xf32, #tpu.memory_space<hbm>> -> memref<100000x128xf32, #tpu.memory_space<hbm>>
    tpu.wait_indirect_dma semaphore(%arg12 : memref<!tpu.dma_semaphore, #tpu.memory_space<semaphore_mem>>) src(%dma_wait3A_29 : memref<100000x128xf32, #tpu.memory_space<hbm>>) dst(%arg10 : memref<256x128xf32, #tpu.memory_space<vmem>>)
    %add3A_30 = arith.constant 256 : i32
    %add3A_31 = arith.addi %mul3A_2, %add3A_30 : i32
    %dma_start3A_32 = arith.constant 0 : i32
    %dma_start3A_33 = tpu.memref_slice %arg5[%add3A_31, %dma_start3A_32] : memref<16384x128xf32, #tpu.memory_space<hbm>> -> memref<256x128xf32, #tpu.memory_space<hbm>>
    %dma_start3A_34 = arith.constant 0 : i32
    %dma_start3A_35 = tpu.memref_slice %arg5[%add3A_31, %dma_start3A_34] : memref<16384x128xf32, #tpu.memory_space<hbm>> -> memref<256x128xf32, #tpu.memory_space<hbm>>
    tpu.enqueue_dma source(%arg10 : memref<256x128xf32, #tpu.memory_space<vmem>>) target(%dma_start3A_35 : memref<256x128xf32, #tpu.memory_space<hbm>>) target_semaphore(%arg14 : memref<!tpu.dma_semaphore, #tpu.memory_space<semaphore_mem>>)
    %dma_wait3A_36 = arith.constant 0 : i32
    %dma_wait3A_37 = tpu.memref_slice %arg5[%mul3A_2, %dma_wait3A_36] : memref<16384x128xf32, #tpu.memory_space<hbm>> -> memref<256x128xf32, #tpu.memory_space<hbm>>
    %dma_wait3A_38 = arith.constant 0 : i32
    %dma_wait3A_39 = tpu.memref_slice %arg5[%mul3A_2, %dma_wait3A_38] : memref<16384x128xf32, #tpu.memory_space<hbm>> -> memref<256x128xf32, #tpu.memory_space<hbm>>
    tpu.wait_dma2 semaphore(%arg13 : memref<!tpu.dma_semaphore, #tpu.memory_space<semaphore_mem>>) src(%arg9 : memref<256x128xf32, #tpu.memory_space<vmem>>) dst(%dma_wait3A_39 : memref<256x128xf32, #tpu.memory_space<hbm>>)
    %dma_start3A_40 = arith.constant 0 : i32
    %dma_start3A_41 = tpu.memref_slice %arg8[%dma_start3A_40] : memref<512xi32, #tpu.memory_space<vmem>> -> memref<256xi32, #tpu.memory_space<vmem>>
    %dma_start3A_42 = arith.constant 0 : i32
    %dma_start3A_43 = arith.constant 0 : i32
    %dma_start3A_44 = tpu.memref_slice %arg3[%dma_start3A_42, %dma_start3A_43] : memref<100000x128xf32, #tpu.memory_space<hbm>> -> memref<100000x128xf32, #tpu.memory_space<hbm>>
    tpu.enqueue_indirect_dma source(%dma_start3A_44 : memref<100000x128xf32, #tpu.memory_space<hbm>>) target(%arg9 : memref<256x128xf32, #tpu.memory_space<vmem>>) offsets(%dma_start3A_41 : memref<256xi32, #tpu.memory_space<vmem>>) semaphore(%arg11 : memref<!tpu.dma_semaphore, #tpu.memory_space<semaphore_mem>>)
    %dma_wait3A_45 = arith.constant 0 : i32
    %dma_wait3A_46 = tpu.memref_slice %arg5[%add3A_31, %dma_wait3A_45] : memref<16384x128xf32, #tpu.memory_space<hbm>> -> memref<256x128xf32, #tpu.memory_space<hbm>>
    %dma_wait3A_47 = arith.constant 0 : i32
    %dma_wait3A_48 = tpu.memref_slice %arg5[%add3A_31, %dma_wait3A_47] : memref<16384x128xf32, #tpu.memory_space<hbm>> -> memref<256x128xf32, #tpu.memory_space<hbm>>
    tpu.wait_dma2 semaphore(%arg14 : memref<!tpu.dma_semaphore, #tpu.memory_space<semaphore_mem>>) src(%arg10 : memref<256x128xf32, #tpu.memory_space<vmem>>) dst(%dma_wait3A_48 : memref<256x128xf32, #tpu.memory_space<hbm>>)
    %dma_start3A_49 = arith.constant 256 : i32
    %dma_start3A_50 = tpu.memref_slice %arg8[%dma_start3A_49] : memref<512xi32, #tpu.memory_space<vmem>> -> memref<256xi32, #tpu.memory_space<vmem>>
    %dma_start3A_51 = arith.constant 0 : i32
    %dma_start3A_52 = arith.constant 0 : i32
    %dma_start3A_53 = tpu.memref_slice %arg3[%dma_start3A_51, %dma_start3A_52] : memref<100000x128xf32, #tpu.memory_space<hbm>> -> memref<100000x128xf32, #tpu.memory_space<hbm>>
    tpu.enqueue_indirect_dma source(%dma_start3A_53 : memref<100000x128xf32, #tpu.memory_space<hbm>>) target(%arg10 : memref<256x128xf32, #tpu.memory_space<vmem>>) offsets(%dma_start3A_50 : memref<256xi32, #tpu.memory_space<vmem>>) semaphore(%arg12 : memref<!tpu.dma_semaphore, #tpu.memory_space<semaphore_mem>>)
    %dma_wait3A_54 = arith.constant 0 : i32
    %dma_wait3A_55 = tpu.memref_slice %arg8[%dma_wait3A_54] : memref<512xi32, #tpu.memory_space<vmem>> -> memref<256xi32, #tpu.memory_space<vmem>>
    %dma_wait3A_56 = arith.constant 0 : i32
    %dma_wait3A_57 = arith.constant 0 : i32
    %dma_wait3A_58 = tpu.memref_slice %arg3[%dma_wait3A_56, %dma_wait3A_57] : memref<100000x128xf32, #tpu.memory_space<hbm>> -> memref<100000x128xf32, #tpu.memory_space<hbm>>
    tpu.wait_indirect_dma semaphore(%arg11 : memref<!tpu.dma_semaphore, #tpu.memory_space<semaphore_mem>>) src(%dma_wait3A_58 : memref<100000x128xf32, #tpu.memory_space<hbm>>) dst(%arg9 : memref<256x128xf32, #tpu.memory_space<vmem>>)
    %dma_start3A_59 = arith.constant 0 : i32
    %dma_start3A_60 = tpu.memref_slice %arg6[%mul3A_2, %dma_start3A_59] : memref<16384x128xf32, #tpu.memory_space<hbm>> -> memref<256x128xf32, #tpu.memory_space<hbm>>
    %dma_start3A_61 = arith.constant 0 : i32
    %dma_start3A_62 = tpu.memref_slice %arg6[%mul3A_2, %dma_start3A_61] : memref<16384x128xf32, #tpu.memory_space<hbm>> -> memref<256x128xf32, #tpu.memory_space<hbm>>
    tpu.enqueue_dma source(%arg9 : memref<256x128xf32, #tpu.memory_space<vmem>>) target(%dma_start3A_62 : memref<256x128xf32, #tpu.memory_space<hbm>>) target_semaphore(%arg13 : memref<!tpu.dma_semaphore, #tpu.memory_space<semaphore_mem>>)
    %dma_wait3A_63 = arith.constant 256 : i32
    %dma_wait3A_64 = tpu.memref_slice %arg8[%dma_wait3A_63] : memref<512xi32, #tpu.memory_space<vmem>> -> memref<256xi32, #tpu.memory_space<vmem>>
    %dma_wait3A_65 = arith.constant 0 : i32
    %dma_wait3A_66 = arith.constant 0 : i32
    %dma_wait3A_67 = tpu.memref_slice %arg3[%dma_wait3A_65, %dma_wait3A_66] : memref<100000x128xf32, #tpu.memory_space<hbm>> -> memref<100000x128xf32, #tpu.memory_space<hbm>>
    tpu.wait_indirect_dma semaphore(%arg12 : memref<!tpu.dma_semaphore, #tpu.memory_space<semaphore_mem>>) src(%dma_wait3A_67 : memref<100000x128xf32, #tpu.memory_space<hbm>>) dst(%arg10 : memref<256x128xf32, #tpu.memory_space<vmem>>)
    %add3A_68 = arith.constant 256 : i32
    %add3A_69 = arith.addi %mul3A_2, %add3A_68 : i32
    %dma_start3A_70 = arith.constant 0 : i32
    %dma_start3A_71 = tpu.memref_slice %arg6[%add3A_69, %dma_start3A_70] : memref<16384x128xf32, #tpu.memory_space<hbm>> -> memref<256x128xf32, #tpu.memory_space<hbm>>
    %dma_start3A_72 = arith.constant 0 : i32
    %dma_start3A_73 = tpu.memref_slice %arg6[%add3A_69, %dma_start3A_72] : memref<16384x128xf32, #tpu.memory_space<hbm>> -> memref<256x128xf32, #tpu.memory_space<hbm>>
    tpu.enqueue_dma source(%arg10 : memref<256x128xf32, #tpu.memory_space<vmem>>) target(%dma_start3A_73 : memref<256x128xf32, #tpu.memory_space<hbm>>) target_semaphore(%arg14 : memref<!tpu.dma_semaphore, #tpu.memory_space<semaphore_mem>>)
    %dma_wait3A_74 = arith.constant 0 : i32
    %dma_wait3A_75 = tpu.memref_slice %arg6[%mul3A_2, %dma_wait3A_74] : memref<16384x128xf32, #tpu.memory_space<hbm>> -> memref<256x128xf32, #tpu.memory_space<hbm>>
    %dma_wait3A_76 = arith.constant 0 : i32
    %dma_wait3A_77 = tpu.memref_slice %arg6[%mul3A_2, %dma_wait3A_76] : memref<16384x128xf32, #tpu.memory_space<hbm>> -> memref<256x128xf32, #tpu.memory_space<hbm>>
    tpu.wait_dma2 semaphore(%arg13 : memref<!tpu.dma_semaphore, #tpu.memory_space<semaphore_mem>>) src(%arg9 : memref<256x128xf32, #tpu.memory_space<vmem>>) dst(%dma_wait3A_77 : memref<256x128xf32, #tpu.memory_space<hbm>>)
    %dma_wait3A_78 = arith.constant 0 : i32
    %dma_wait3A_79 = tpu.memref_slice %arg6[%add3A_69, %dma_wait3A_78] : memref<16384x128xf32, #tpu.memory_space<hbm>> -> memref<256x128xf32, #tpu.memory_space<hbm>>
    %dma_wait3A_80 = arith.constant 0 : i32
    %dma_wait3A_81 = tpu.memref_slice %arg6[%add3A_69, %dma_wait3A_80] : memref<16384x128xf32, #tpu.memory_space<hbm>> -> memref<256x128xf32, #tpu.memory_space<hbm>>
    tpu.wait_dma2 semaphore(%arg14 : memref<!tpu.dma_semaphore, #tpu.memory_space<semaphore_mem>>) src(%arg10 : memref<256x128xf32, #tpu.memory_space<vmem>>) dst(%dma_wait3A_81 : memref<256x128xf32, #tpu.memory_space<hbm>>)
    return
  }
}

module attributes {stable_mosaic.version = 14 : i64} {
  func.func @_mlp_block_kernel(%arg0: i32, %arg1: memref<2048x128xf32, #tpu.memory_space<vmem>>, %arg2: memref<2048x128xf32, #tpu.memory_space<vmem>>, %arg3: memref<2048x128xf32, #tpu.memory_space<vmem>>, %arg4: memref<2048x128xf32, #tpu.memory_space<vmem>>, %arg5: memref<256x64xf32, #tpu.memory_space<vmem>>, %arg6: memref<64xf32, #tpu.memory_space<vmem>>, %arg7: memref<64x1xf32, #tpu.memory_space<vmem>>, %arg8: memref<1xf32, #tpu.memory_space<vmem>>, %arg9: memref<2x2048xf32, #tpu.memory_space<vmem>>) attributes {dimension_semantics = [#tpu.dimension_semantics<parallel>], iteration_bounds = array<i64: 4>, scalar_prefetch = 0 : i64, scratch_operands = 0 : i64, tpu.core_type = #tpu.core_type<tc>, window_params = [{transform_indices = @transform_0, window_bounds = array<i64: 2048, 128>}, {transform_indices = @transform_1, window_bounds = array<i64: 2048, 128>}, {transform_indices = @transform_2, window_bounds = array<i64: 2048, 128>}, {transform_indices = @transform_3, window_bounds = array<i64: 2048, 128>}, {pipeline_mode = #tpu.pipeline_mode<synchronous>, transform_indices = @transform_4, window_bounds = array<i64: 256, 64>}, {pipeline_mode = #tpu.pipeline_mode<synchronous>, transform_indices = @transform_5, window_bounds = array<i64: 64>}, {pipeline_mode = #tpu.pipeline_mode<synchronous>, transform_indices = @transform_6, window_bounds = array<i64: 64, 1>}, {pipeline_mode = #tpu.pipeline_mode<synchronous>, transform_indices = @transform_7, window_bounds = array<i64: 1>}, {transform_indices = @transform_8, window_bounds = array<i64: 2, 2048>}]} {
    %get3A = arith.constant 0 : index
    %get3A_0 = arith.constant 0 : index
    %get3A_1 = vector.load %arg5[%get3A, %get3A_0] : memref<256x64xf32, #tpu.memory_space<vmem>>, vector<256x64xf32>
    %convert_element_type3A = arith.truncf %get3A_1 : vector<256x64xf32> to vector<256x64xbf16>
    %slice3A = vector.extract_strided_slice %convert_element_type3A {offsets = [0, 0], sizes = [128, 64], strides = [1, 1]} : vector<256x64xbf16> to vector<128x64xbf16>
    %slice3A_2 = vector.extract_strided_slice %convert_element_type3A {offsets = [128, 0], sizes = [128, 64], strides = [1, 1]} : vector<256x64xbf16> to vector<128x64xbf16>
    %get3A_3 = arith.constant 0 : index
    %get3A_4 = vector.load %arg6[%get3A_3] : memref<64xf32, #tpu.memory_space<vmem>>, vector<64xf32>
    %broadcast_in_dim3A = vector.shape_cast %get3A_4 : vector<64xf32> to vector<1x64xf32>
    %get3A_5 = arith.constant 0 : index
    %get3A_6 = arith.constant 0 : index
    %get3A_7 = vector.load %arg7[%get3A_5, %get3A_6] : memref<64x1xf32, #tpu.memory_space<vmem>>, vector<64x1xf32>
    %get3A_8 = arith.constant 0 : index
    %get3A_9 = vector.load %arg8[%get3A_8] : memref<1xf32, #tpu.memory_space<vmem>>, vector<1xf32>
    %get3A_10 = vector.extract %get3A_9[0] : f32 from vector<1xf32>
    %get3A_11 = arith.constant 0 : index
    %get3A_12 = arith.constant 0 : index
    %get3A_13 = vector.load %arg1[%get3A_11, %get3A_12] : memref<2048x128xf32, #tpu.memory_space<vmem>>, vector<2048x128xf32>
    %convert_element_type3A_14 = arith.truncf %get3A_13 : vector<2048x128xf32> to vector<2048x128xbf16>
    %get3A_15 = arith.constant 0 : index
    %get3A_16 = arith.constant 0 : index
    %get3A_17 = vector.load %arg3[%get3A_15, %get3A_16] : memref<2048x128xf32, #tpu.memory_space<vmem>>, vector<2048x128xf32>
    %convert_element_type3A_18 = arith.truncf %get3A_17 : vector<2048x128xf32> to vector<2048x128xbf16>
    %dot_general3A = arith.constant dense<0.000000e+00> : vector<2048x64xf32>
    %dot_general3A_19 = tpu.matmul %convert_element_type3A_14, %slice3A, %dot_general3A {dimension_numbers = #tpu.dot_dimension_numbers<[1], [0], [0], [1], [0, 0, 1, 1], [], []>, transpose_lhs_hint = false} : vector<2048x128xbf16>, vector<128x64xbf16>, vector<2048x64xf32> -> vector<2048x64xf32>
    %dot_general3A_20 = arith.constant dense<0.000000e+00> : vector<2048x64xf32>
    %dot_general3A_21 = tpu.matmul %convert_element_type3A_18, %slice3A_2, %dot_general3A_20 {dimension_numbers = #tpu.dot_dimension_numbers<[1], [0], [0], [1], [0, 0, 1, 1], [], []>, transpose_lhs_hint = false} : vector<2048x128xbf16>, vector<128x64xbf16>, vector<2048x64xf32> -> vector<2048x64xf32>
    %add3A = arith.addf %dot_general3A_19, %dot_general3A_21 : vector<2048x64xf32>
    %add3A_22 = vector.broadcast %broadcast_in_dim3A : vector<1x64xf32> to vector<2048x64xf32>
    %add3A_23 = arith.addf %add3A, %add3A_22 : vector<2048x64xf32>
    %mul3A = arith.constant 5.000000e-01 : f32
    %mul3A_24 = vector.broadcast %mul3A : f32 to vector<2048x64xf32>
    %mul3A_25 = arith.mulf %mul3A_24, %add3A_23 : vector<2048x64xf32>
    %tanh3A = math.tanh %mul3A_25 : vector<2048x64xf32>
    %mul3A_26 = arith.constant 5.000000e-01 : f32
    %mul3A_27 = vector.broadcast %mul3A_26 : f32 to vector<2048x64xf32>
    %mul3A_28 = arith.mulf %mul3A_27, %tanh3A : vector<2048x64xf32>
    %add3A_29 = arith.constant 5.000000e-01 : f32
    %add3A_30 = vector.broadcast %add3A_29 : f32 to vector<2048x64xf32>
    %add3A_31 = arith.addf %mul3A_28, %add3A_30 : vector<2048x64xf32>
    %dot_general3A_32 = arith.constant dense<0.000000e+00> : vector<2048x1xf32>
    %dot_general3A_33 = tpu.matmul %add3A_31, %get3A_7, %dot_general3A_32 {dimension_numbers = #tpu.dot_dimension_numbers<[1], [0], [0], [1], [0, 0, 1, 1], [], []>, transpose_lhs_hint = false} : vector<2048x64xf32>, vector<64x1xf32>, vector<2048x1xf32> -> vector<2048x1xf32>
    %add3A_34 = vector.broadcast %get3A_10 : f32 to vector<2048x1xf32>
    %add3A_35 = arith.addf %dot_general3A_33, %add3A_34 : vector<2048x1xf32>
    %transpose3A = tpu.transpose %add3A_35, [1, 0] : vector<2048x1xf32> -> vector<1x2048xf32>
    %mul3A_36 = arith.constant 5.000000e-01 : f32
    %mul3A_37 = vector.broadcast %mul3A_36 : f32 to vector<1x2048xf32>
    %mul3A_38 = arith.mulf %mul3A_37, %transpose3A : vector<1x2048xf32>
    %tanh3A_39 = math.tanh %mul3A_38 : vector<1x2048xf32>
    %mul3A_40 = arith.constant 5.000000e-01 : f32
    %mul3A_41 = vector.broadcast %mul3A_40 : f32 to vector<1x2048xf32>
    %mul3A_42 = arith.mulf %mul3A_41, %tanh3A_39 : vector<1x2048xf32>
    %add3A_43 = arith.constant 5.000000e-01 : f32
    %add3A_44 = vector.broadcast %add3A_43 : f32 to vector<1x2048xf32>
    %add3A_45 = arith.addf %mul3A_42, %add3A_44 : vector<1x2048xf32>
    %get3A_46 = arith.constant 0 : index
    %get3A_47 = arith.constant 0 : index
    %get3A_48 = vector.load %arg2[%get3A_46, %get3A_47] : memref<2048x128xf32, #tpu.memory_space<vmem>>, vector<2048x128xf32>
    %convert_element_type3A_49 = arith.truncf %get3A_48 : vector<2048x128xf32> to vector<2048x128xbf16>
    %get3A_50 = arith.constant 0 : index
    %get3A_51 = arith.constant 0 : index
    %get3A_52 = vector.load %arg4[%get3A_50, %get3A_51] : memref<2048x128xf32, #tpu.memory_space<vmem>>, vector<2048x128xf32>
    %convert_element_type3A_53 = arith.truncf %get3A_52 : vector<2048x128xf32> to vector<2048x128xbf16>
    %dot_general3A_54 = arith.constant dense<0.000000e+00> : vector<2048x64xf32>
    %dot_general3A_55 = tpu.matmul %convert_element_type3A_49, %slice3A, %dot_general3A_54 {dimension_numbers = #tpu.dot_dimension_numbers<[1], [0], [0], [1], [0, 0, 1, 1], [], []>, transpose_lhs_hint = false} : vector<2048x128xbf16>, vector<128x64xbf16>, vector<2048x64xf32> -> vector<2048x64xf32>
    %dot_general3A_56 = arith.constant dense<0.000000e+00> : vector<2048x64xf32>
    %dot_general3A_57 = tpu.matmul %convert_element_type3A_53, %slice3A_2, %dot_general3A_56 {dimension_numbers = #tpu.dot_dimension_numbers<[1], [0], [0], [1], [0, 0, 1, 1], [], []>, transpose_lhs_hint = false} : vector<2048x128xbf16>, vector<128x64xbf16>, vector<2048x64xf32> -> vector<2048x64xf32>
    %add3A_58 = arith.addf %dot_general3A_55, %dot_general3A_57 : vector<2048x64xf32>
    %add3A_59 = vector.broadcast %broadcast_in_dim3A : vector<1x64xf32> to vector<2048x64xf32>
    %add3A_60 = arith.addf %add3A_58, %add3A_59 : vector<2048x64xf32>
    %mul3A_61 = arith.constant 5.000000e-01 : f32
    %mul3A_62 = vector.broadcast %mul3A_61 : f32 to vector<2048x64xf32>
    %mul3A_63 = arith.mulf %mul3A_62, %add3A_60 : vector<2048x64xf32>
    %tanh3A_64 = math.tanh %mul3A_63 : vector<2048x64xf32>
    %mul3A_65 = arith.constant 5.000000e-01 : f32
    %mul3A_66 = vector.broadcast %mul3A_65 : f32 to vector<2048x64xf32>
    %mul3A_67 = arith.mulf %mul3A_66, %tanh3A_64 : vector<2048x64xf32>
    %add3A_68 = arith.constant 5.000000e-01 : f32
    %add3A_69 = vector.broadcast %add3A_68 : f32 to vector<2048x64xf32>
    %add3A_70 = arith.addf %mul3A_67, %add3A_69 : vector<2048x64xf32>
    %dot_general3A_71 = arith.constant dense<0.000000e+00> : vector<2048x1xf32>
    %dot_general3A_72 = tpu.matmul %add3A_70, %get3A_7, %dot_general3A_71 {dimension_numbers = #tpu.dot_dimension_numbers<[1], [0], [0], [1], [0, 0, 1, 1], [], []>, transpose_lhs_hint = false} : vector<2048x64xf32>, vector<64x1xf32>, vector<2048x1xf32> -> vector<2048x1xf32>
    %add3A_73 = vector.broadcast %get3A_10 : f32 to vector<2048x1xf32>
    %add3A_74 = arith.addf %dot_general3A_72, %add3A_73 : vector<2048x1xf32>
    %transpose3A_75 = tpu.transpose %add3A_74, [1, 0] : vector<2048x1xf32> -> vector<1x2048xf32>
    %mul3A_76 = arith.constant 5.000000e-01 : f32
    %mul3A_77 = vector.broadcast %mul3A_76 : f32 to vector<1x2048xf32>
    %mul3A_78 = arith.mulf %mul3A_77, %transpose3A_75 : vector<1x2048xf32>
    %tanh3A_79 = math.tanh %mul3A_78 : vector<1x2048xf32>
    %mul3A_80 = arith.constant 5.000000e-01 : f32
    %mul3A_81 = vector.broadcast %mul3A_80 : f32 to vector<1x2048xf32>
    %mul3A_82 = arith.mulf %mul3A_81, %tanh3A_79 : vector<1x2048xf32>
    %add3A_83 = arith.constant 5.000000e-01 : f32
    %add3A_84 = vector.broadcast %add3A_83 : f32 to vector<1x2048xf32>
    %add3A_85 = arith.addf %mul3A_82, %add3A_84 : vector<1x2048xf32>
    %concatenate3A = tpu.concatenate %add3A_45, %add3A_85 in 0 : vector<1x2048xf32>, vector<1x2048xf32> -> vector<2x2048xf32>
    %swap3A = arith.constant 0 : index
    %swap3A_86 = arith.constant 0 : index
    %swap3A_87 = vector.load %arg9[%swap3A, %swap3A_86] : memref<2x2048xf32, #tpu.memory_space<vmem>>, vector<2x2048xf32>
    tpu.vector_store %arg9[%swap3A, %swap3A_86], %concatenate3A {strides = array<i32>} : memref<2x2048xf32, #tpu.memory_space<vmem>>, vector<2x2048xf32>,
    return
  }
  func.func @transform_0(%arg0: i32) -> (i32, i32) {
    %c0_i32 = arith.constant 0 : i32
    %c0_i32_0 = arith.constant 0 : i32
    return %arg0, %c0_i32 : i32, i32
  }
  func.func @transform_1(%arg0: i32) -> (i32, i32) {
    %add3A = arith.constant 4 : i32
    %add3A_0 = arith.addi %arg0, %add3A : i32
    %c0_i32 = arith.constant 0 : i32
    %c0_i32_1 = arith.constant 0 : i32
    return %add3A_0, %c0_i32 : i32, i32
  }
  func.func @transform_2(%arg0: i32) -> (i32, i32) {
    %c0_i32 = arith.constant 0 : i32
    %c0_i32_0 = arith.constant 0 : i32
    return %arg0, %c0_i32 : i32, i32
  }
  func.func @transform_3(%arg0: i32) -> (i32, i32) {
    %add3A = arith.constant 4 : i32
    %add3A_0 = arith.addi %arg0, %add3A : i32
    %c0_i32 = arith.constant 0 : i32
    %c0_i32_1 = arith.constant 0 : i32
    return %add3A_0, %c0_i32 : i32, i32
  }
  func.func @transform_4(%arg0: i32) -> (i32, i32) {
    %c0_i32 = arith.constant 0 : i32
    %c0_i32_0 = arith.constant 0 : i32
    %c0_i32_1 = arith.constant 0 : i32
    return %c0_i32, %c0_i32_0 : i32, i32
  }
  func.func @transform_5(%arg0: i32) -> i32 {
    %c0_i32 = arith.constant 0 : i32
    %c0_i32_0 = arith.constant 0 : i32
    return %c0_i32 : i32
  }
  func.func @transform_6(%arg0: i32) -> (i32, i32) {
    %c0_i32 = arith.constant 0 : i32
    %c0_i32_0 = arith.constant 0 : i32
    %c0_i32_1 = arith.constant 0 : i32
    return %c0_i32, %c0_i32_0 : i32, i32
  }
  func.func @transform_7(%arg0: i32) -> i32 {
    %c0_i32 = arith.constant 0 : i32
    %c0_i32_0 = arith.constant 0 : i32
    return %c0_i32 : i32
  }
  func.func @transform_8(%arg0: i32) -> (i32, i32) {
    %c0_i32 = arith.constant 0 : i32
    %c0_i32_0 = arith.constant 0 : i32
    return %c0_i32, %arg0 : i32, i32
  }
}

</mosaic_0001>

<sc_bundles>
// kernel: kernel.4.cloned.1.call-start
scs
__scs_entry_jumppad:
0x0: {  	(pc) =	sbr.rel $0x88, $3  }
0x1: {  	(tag) =	ssettag $0x0;
	lr =	simm.s32 $0x1  }
0x2: {  	[smem:$0x3F9A] =	sst lr;
	_ =	strace $0xD0000000  }
0x3: {  	_ = 	snop  }
0x4: {  	_ = 	snop  }
0x5: {  	_ = 	snop  }
0x6: {  	_ = 	snop  }
0x7: {  	_ = 	snop  }
__scs_overlays_trampoline_lowered:
0x8: {  	[smem:$0x3FA9] =	sst s0  }
0x9: {  	[smem:$0x3FAA] =	sst s1  }
0xa: {  	[smem:$0x3FAB] =	sst s2  }
0xb: {  	[smem:$0x3FAC] =	sst s3  }
0xc: {  	[smem:$0x3FAD] =	sst s4  }
0xd: {  	[smem:$0x3FAE] =	sst s5  }
0xe: {  	[smem:$0x3FAF] =	sst s6  }
0xf: {  	[smem:$0x3FB0] =	sst s7  }
0x10: {  	[smem:$0x3FB1] =	sst s8  }
0x11: {  	[smem:$0x3FB2] =	sst s9;
	s0 =	simm.s32 @!p0 $0x0  }
0x12: {  	s1 =	sld [smem:$0x3F98];
	s0 =	simm.s32 @p0 $0x1  }
0x13: {  	[smem:$0x3FB3] =	sst s0;
	s0 =	simm.s32 @!p1 $0x0  }
0x14: {  	s2 =	sld [smem:$0x3F97];
	s0 =	simm.s32 @p1 $0x1  }
0x15: {  	[smem:$0x3FB4] =	sst s0;
	s0 =	simm.s32 @!p2 $0x0  }
0x16: {  	s3 =	sld [smem:$0x3FDB];
	s0 =	simm.s32 @p2 $0x1  }
0x17: {  	s4 =	simm.s32 $0x1BF5;
	[smem:$0x3FB6] =	sst s0  }
0x18: {  	s0 =	sld [smem:$0x3F99];
	_ =	swait.ge [sflag:s4], $0x0  }
0x19: {  	s7 =	sld [smem:$0x3F9A]  }
0x1a: {  	s8 =	sadd.s32 $0xFFFFE003, lr  }
0x1b: {  	s9 =	sadd.s32 $0xFFFFFEF7, lr;
	s5 =	simm.s32 $0xFFFFFFFF;
	p2 =	slt.u32 s8, $0xFFFFF086  }
0x1c: {  	p1 =	slt.u32 s9, $0xF7A;
	s5 =	simm.s32 @!p2 $0x0  }
0x1d: {  	s5 =	simm.s32 @p1 $0x1;
	p0 =	seq.s32 s7, s2  }
0x1e: {  	s7 =	smul.u32 @!p0 $0xF7A, s2;
	p2 =	seq.s32 @!p0 s5, $0x0  }
0x1f: {  	s9 =	smul.u32 $0xF7A, s1;
	s8 =	simm.s32 @!p0 $0x1BF5;
	p2 =	por !p2, p0  }
0x20: {  	[sflag:s8] =	ssyncset.s32 @!p0 $0xFFFFF086;
	s6 =	sadd.s32 @!p0 s3, s7;
	s7 =	simm.s32 @!p0 $0x108  }
0x21: {  	s3 =	sadd.s32 s3, s9;
	s6 =	sadd.s32 @!p0 $0x88, s6;
	s7 =	simm.s32 @p2 $0x1082  }
0x22: {  	[simem:s7], [sflag:s8] =	dma.local @!p0 [hbm:s6], $0xF7A  }
0x23: {  	s9 =	sor.u32 $0xD0000000, s2;
	s6 =	simm.s32 $0x108;
	_ =	swait.ge @!p0 [sflag:s8], $0x0  }
0x24: {  	s3 =	sadd.s32 $0x88, s3;
	s6 =	simm.s32 @!p1 $0x1082;
	[sflag:s4] =	ssyncset.s32 $0xFFFFF086  }
0x25: {  	[simem:s6], [sflag:s4] =	dma.local [hbm:s3], $0xF7A  }
0x26: {  	[smem:$0x3F9A] =	sst s1;
	(tag) =	ssettag s2;
	_ =	strace s9  }
0x27: {  	s1 =	sld [smem:$0x3FAA]  }
0x28: {  	s2 =	sld [smem:$0x3FAB]  }
0x29: {  	s4 =	sld [smem:$0x3FAD]  }
0x2a: {  	p0 =	seq.s32 s5, $0x0;
	s5 =	sld [smem:$0x3FAE]  }
0x2b: {  	s6 =	sld [smem:$0x3FAF]  }
0x2c: {  	s7 =	sld [smem:$0x3FB0]  }
0x2d: {  	s3 =	simm.s32 $0x108;
	s8 =	sld [smem:$0x3FB1]  }
0x2e: {  	s3 =	simm.s32 @!p0 $0x1082;
	s9 =	sld [smem:$0x3FB2]  }
0x2f: {  	lr =	sadd.s32 s0, s3;
	s0 =	sld [smem:$0x3FA9]  }
0x30: {  	s3 =	sld [smem:$0x3FAC]  }
0x31: {  	[smem:$0x3FB5] =	sst s10  }
0x32: {  	s10 =	sld [smem:$0x3FB3];
	_ =	sdelay $0x3  }
0x33: {  	p0 =	seq.s32 s10, $0x1;
	s10 =	sld [smem:$0x3FB5];
	_ =	sdelay $0x3  }
0x34: {  	[smem:$0x3FB5] =	sst s10  }
0x35: {  	s10 =	sld [smem:$0x3FB4];
	_ =	sdelay $0x3  }
0x36: {  	p1 =	seq.s32 s10, $0x1;
	s10 =	sld [smem:$0x3FB5];
	_ =	sdelay $0x3  }
0x37: {  	[smem:$0x3FB5] =	sst s10  }
0x38: {  	s10 =	sld [smem:$0x3FB6]  }
0x39: {  	_ = 	snop;
	(pc) =	sbr.ind lr, $3  }
0x3a: {  	_ = 	snop  }
0x3b: {  	_ = 	snop  }
0x3c: {  	p2 =	seq.s32 s10, $0x1;
	s10 =	sld [smem:$0x3FB5]  }
0x3d: {  	_ =	shalt  }
0x3e: {  	_ =	shalt  }
0x3f: {  	_ =	shalt  }
0x40: {  	_ =	shalt  }
0x41: {  	_ =	shalt  }
0x42: {  	_ =	shalt  }
0x43: {  	_ =	shalt  }
0x44: {  	_ =	shalt  }
0x45: {  	_ =	shalt  }
0x46: {  	_ =	shalt  }
0x47: {  	_ =	shalt  }
0x48: {  	_ =	shalt  }
0x49: {  	_ =	shalt  }
0x4a: {  	_ =	shalt  }
0x4b: {  	_ =	shalt  }
0x4c: {  	_ =	shalt  }
0x4d: {  	_ =	shalt  }
0x4e: {  	_ =	shalt  }
0x4f: {  	_ =	shalt  }
0x50: {  	_ =	shalt  }
0x51: {  	_ =	shalt  }
0x52: {  	_ =	shalt  }
0x53: {  	_ =	shalt  }
0x54: {  	_ =	shalt  }
0x55: {  	_ =	shalt  }
0x56: {  	_ =	shalt  }
0x57: {  	_ =	shalt  }
0x58: {  	_ =	shalt  }
0x59: {  	_ =	shalt  }
0x5a: {  	_ =	shalt  }
0x5b: {  	_ =	shalt  }
0x5c: {  	_ =	shalt  }
0x5d: {  	_ =	shalt  }
0x5e: {  	_ =	shalt  }
0x5f: {  	_ =	shalt  }
0x60: {  	_ =	shalt  }
0x61: {  	_ =	shalt  }
0x62: {  	_ =	shalt  }
0x63: {  	_ =	shalt  }
0x64: {  	_ =	shalt  }
0x65: {  	_ =	shalt  }
0x66: {  	_ =	shalt  }
0x67: {  	_ =	shalt  }
0x68: {  	_ =	shalt  }
0x69: {  	_ =	shalt  }
0x6a: {  	_ =	shalt  }
0x6b: {  	_ =	shalt  }
0x6c: {  	_ =	shalt  }
0x6d: {  	_ =	shalt  }
0x6e: {  	_ =	shalt  }
0x6f: {  	_ =	shalt  }
0x70: {  	_ =	shalt  }
0x71: {  	_ =	shalt  }
0x72: {  	_ =	shalt  }
0x73: {  	_ =	shalt  }
0x74: {  	_ =	shalt  }
0x75: {  	_ =	shalt  }
0x76: {  	_ =	shalt  }
0x77: {  	_ =	shalt  }
0x78: {  	_ =	shalt  }
0x79: {  	_ =	shalt  }
0x7a: {  	_ =	shalt  }
0x7b: {  	_ =	shalt  }
0x7c: {  	_ =	shalt  }
0x7d: {  	_ =	shalt  }
0x7e: {  	_ =	shalt  }
0x7f: {  	_ =	shalt  }
0x80: {  	_ =	shalt  }
0x81: {  	_ =	shalt  }
0x82: {  	_ =	shalt  }
0x83: {  	_ =	shalt  }
0x84: {  	_ =	shalt  }
0x85: {  	_ =	shalt  }
0x86: {  	_ =	shalt  }
0x87: {  	_ =	shalt  }
.Lfunc_end0:
.L_simem_size_0:
called_computation_lowered:
.L_overlay_start_0:
0x88: {  	s2 =	sld [smem:$0x3FD9]  }
0x89: {  	s3 =	sld [smem:$0x3FFE];
	_ =	sdelay $0x1  }
0x8a: {  	s1 =	srdreg.scid  }
0x8b: {  	s0 =	sand.u32 $0x1, s1  }
0x8c: {  	s17 =	sshll.u32 s0, $0xA;
	s2 =	sadd.s32 s3, s2  }
0x8d: {  	s2 =	sadd.s32 s2, s17  }
0x8e: {  	[smem:$0x3FC1] =	sst s2  }
0x8f: {  	_ = 	snop  }
0x90: {  	s2 =	sld [smem:$0x3FC9]  }
0x91: {  	s18 =	sld [smem:$0x3FC8]  }
0x92: {  	s4 =	sld [smem:$0x3FC7];
	(tm) =	ssettm $0x1  }
0x93: {  	s5 =	sld [smem:$0x3FFB];
	_ =	sdelay $0x3  }
0x94: {  	_ =	strace s5  }
0x95: {  	s5 =	sld [smem:$0x3FFC];
	_ =	sdelay $0x3  }
0x96: {  	_ =	strace s5  }
0x97: {  	s5 =	sld [smem:$0x3FFD];
	_ =	sdelay $0x3  }
0x98: {  	_ =	strace s5  }
0x99: {  	_ =	strace $0x8FFFFFFF  }
0x9a: {  	s19 =	sld [smem:$0x3FDB];
	_ =	sdelay $0x1  }
0x9b: {  	s6 =	simm.s32 $_scs_section_size  }
0x9c: {  	s7 =	simm.s32 $_size__tile_overlayer_lowered;
	s8 =	simm.s32 $_tile_overlayer_lowered  }
0x9d: {  	s22 =	simm.s32 $0x1BFF;
	s21 =	sshll.u32 s8, $0x1;
	s5 =	sadd.s32 s6, s19  }
0x9e: {  	s9 =	simm.s32 $0x0;
	s20 =	sshll.u32 s7, $0x1;
	s7 =	sadd.s32 s21, s5  }
0x9f: {  	[timem:s9], [sflag:s22] =	dma.local [hbm:s7], s20  }
0xa0: {  	_ =	swait.ge [sflag:s22], s20  }
0xa1: {  	s6 =	ssub.s32 $0x0, s20;
	[sflag:s22] =	ssyncset.done $0x0  }
0xa2: {  	[sflag:s22] =	ssyncadd.s32 s6;
	_ =	sdelay $0x1  }
0xa3: {  	s23 =	simm.s32 $0x1B8B  }
0xa4: {  	_ =	swait.ge [sflag:s23], $0x1  }
0xa5: {  	[sflag:s23] =	ssyncset.done $0x0  }
0xa6: {  	s25 =	simm.s32 $0x1B8E;
	s24 =	sld [smem:$0x3FFE];
	[sflag:s23] =	ssyncadd.s32 $0xFFFFFFFF  }
0xa7: {  	s26 =	simm.s32 $execute0_lowered;
	[smem:$0x3FD2] =	sst s25  }
0xa8: {  	s7 =	sshll.u32 s26, $0x1;
	_ =	strace $0x80000046;
	[dreg:$0x1] =	wrdreg $0xFFFFFFFF  }
0xa9: {  	s28 =	simm.s32 $_size_execute0_lowered;
	s5 =	sadd.s32 s5, s7;
	[dreg:$0x0] =	wrdreg $0x0  }
0xaa: {  	s7 =	sshll.u32 s28, $0x1;
	[dreg:$0x2] =	wrdreg s5  }
0xab: {  	[dreg:$0x3] =	wrdreg s7  }
0xac: {  	[dreg:$0x4] =	wrdreg $0xC0  }
0xad: {  	_ =	task [dreg:s9], $0x5FFFF  }
0xae: {  	[dreg:$0x1] =	wrdreg $0xFFFFFFFF  }
0xaf: {  	[dreg:$0x0] =	wrdreg $0x60  }
0xb0: {  	[dreg:$0x2] =	wrdreg s18  }
0xb1: {  	[dreg:$0x3] =	wrdreg s4  }
0xb2: {  	[dreg:$0x4] =	wrdreg s2  }
0xb3: {  	[dreg:$0x5] =	wrdreg s24  }
0xb4: {  	[dreg:$0x6] =	wrdreg $0x9  }
0xb5: {  	_ =	task.clear_ibuf [dreg:s9], $0x7FFFF;
	_ =	strace $0x90000046  }
0xb6: {  	s29 =	simm.s32 $0x9;
	_ =	strace $0x80000048  }
0xb7: {  	_ =	swait.ge [sflag:s29], $0x1  }
0xb8: {  	[sflag:s29] =	ssyncadd.s32 $0xFFFFFFFF  }
0xb9: {  	_ =	strace $0x90000048  }
0xba: {  	_ =	sfence  }
0xbb: {  	s30 =	sld [smem:$0x0];
	_ =	sdelay $0x2  }
0xbc: {  	s31 =	sshll.u32 s1, $0xD;
	s1 =	sshrl.u32 s1, $0x2  }
0xbd: {  	s3 =	sand.u32 $0x4000, s31;
	s1 =	sadd.s32 s1, s30  }
0xbe: {  	s0 =	sor.u32 s3, s0;
	s1 =	sshll.u32 s1, $0x11  }
0xbf: {  	s0 =	sor.u32 s1, s0  }
0xc0: {  	s0 =	sadd.s32 $0x8F2B, s0  }
0xc1: {  	[sflag:s0] =	ssyncadd.remote.s32 $0x1  }
0xc2: {  	_ =	sfence.sel $0xFFFF  }
0xc3: {  	[dreg:$0x0] =	wrdreg $0xFFFFFFFF;
	(pc) =	sbr.abs _section_cstart, $3  }
0xc4: {  	[dreg:$0x1] =	wrdreg $0xFFFFFFFF  }
0xc5: {  	_ =	task.clear_ibuf [dreg:s9], $0x2FFFF;
	_ =	strace $0x9FFFFFFF  }
0xc6: {  	(tm) =	ssettm $0x7FFFFFFF  }
0xc7: {  	_ =	shalt  }
tec
execute0_lowered:
.L_overlay_start_1:
0x0: {  	(tag) =	ssettag $0x1  }
0x1: {  	s1 =	rddreg [dreg:$0x0]  }
0x2: {  	s2 =	rddreg [dreg:$0x1]  }
0x3: {  	s3 =	srdreg.scid;
	s5 =	rddreg [dreg:$0x2]  }
0x4: {  	s0 =	stileid.u32;
	s20 =	rddreg [dreg:$0x3];
	s21 =	sand.u32 $0x1, s3  }
0x5: {  	s4 =	simm.s32 $0x0;
	s6 =	sshll.u32 s0, $0xA;
	s7 =	sshll.u32 s21, $0x9  }
0x6: {  	s8 =	simm.s32 $0x5;
	[smem:$0x7FF] =	sst s4;
	s14 =	sor.u32 s7, s6  }
0x7: {  	s3 =	rddreg [dreg:$0x4];
	_ =	strace $0x80000047;
	s6 =	sshrl.u32 s14, $0x2  }
0x8: {  	s7 =	simm.s32 $0x100;
	s5 =	sadd.s32 s5, s6;
	s6 =	simm.s32 $0x80  }
0x9: {  	[tilespmem:s4], [sflag:$0x5] =	stream.strided.gather [hbm4b:s5+s6], $0x200, s7, s6, $0x38;
	[tilespmem:$0x10400] =	vst v63  }
0xa: {  	_ =	swait.ge [sflag:s8], $0x200  }
0xb: {  	[sflag:s8] =	ssyncset.done $0x0  }
0xc: {  	s10 =	simm.s32 $0x200;
	s9 =	sadd.s32 $0x10, s5;
	[sflag:s8] =	ssyncadd.s32 $0xFFFFFE00  }
0xd: {  	[tilespmem:s10], [sflag:$0x5] =	stream.strided.gather [hbm4b:s9+s6], $0x200, s7, s6, $0x38;
	[tilespmem:$0x10400] =	vst v63  }
0xe: {  	_ =	swait.ge [sflag:s8], $0x200  }
0xf: {  	[sflag:s8] =	ssyncset.done $0x0  }
0x10: {  	s11 =	simm.s32 $0x400;
	[sflag:s8] =	ssyncadd.s32 $0xFFFFFE00  }
0x11: {  	[tilespmem:s11], [sflag:$0x1] =	stream.indirect.gather [hbm4b:s1+s7], $0x80, s4, s7, $0xb8;
	[tilespmem:$0x10400] =	vst v63  }
0x12: {  	s12 =	simm.s32 $0x8400;
	s13 =	simm.s32 $0x1  }
0x13: {  	[tilespmem:s12], [sflag:$0x2] =	stream.indirect.gather [hbm4b:s1+s7], $0x80, s7, s7, $0xb8;
	[tilespmem:$0x10400] =	vst v63  }
0x14: {  	_ =	swait.ge [sflag:s13], $0x8000  }
0x15: {  	s16 =	sadd.s32 $0x1200, s20;
	s22 =	sshll.u32 s14, $0x4;
	[sflag:s13] =	ssyncset.done $0x0  }
0x16: {  	s15 =	simm.s32 $0x2;
	s14 =	sadd.s32 s16, s22;
	[sflag:s13] =	ssyncadd.s32 $0xFFFF8000  }
0x17: {  	[hbm4b:s14+s4] =	stream.linear.scatter [tilespmem:s11], [sflag:$0x3], $0x8000, $0x38;
	[tilespmem:$0x10400] =	vst v63  }
0x18: {  	_ =	swait.ge [sflag:s15], $0x8000  }
0x19: {  	s23 =	sor.u32 $0x1000, s22;
	[sflag:s15] =	ssyncset.done $0x0  }
0x1a: {  	s17 =	simm.s32 $0x3;
	s16 =	sadd.s32 s16, s23;
	[sflag:s15] =	ssyncadd.s32 $0xFFFF8000  }
0x1b: {  	[hbm4b:s16+s4] =	stream.linear.scatter [tilespmem:s12], [sflag:$0x4], $0x8000, $0x38;
	[tilespmem:$0x10400] =	vst v63  }
0x1c: {  	_ =	swait.ge [sflag:s17], $0x8000  }
0x1d: {  	[sflag:s17] =	ssyncset.done $0x0  }
0x1e: {  	s18 =	simm.s32 $0x4;
	[sflag:s17] =	ssyncadd.s32 $0xFFFF8000  }
0x1f: {  	[tilespmem:s11], [sflag:$0x1] =	stream.indirect.gather [hbm4b:s2+s7], $0x80, s10, s7, $0xb8;
	[tilespmem:$0x10400] =	vst v63  }
0x20: {  	_ =	swait.ge [sflag:s18], $0x8000  }
0x21: {  	[sflag:s18] =	ssyncset.done $0x0  }
0x22: {  	s19 =	simm.s32 $0x300;
	[sflag:s18] =	ssyncadd.s32 $0xFFFF8000  }
0x23: {  	[tilespmem:s12], [sflag:$0x2] =	stream.indirect.gather [hbm4b:s2+s7], $0x80, s19, s7, $0xb8;
	[tilespmem:$0x10400] =	vst v63  }
0x24: {  	_ =	swait.ge [sflag:s13], $0x8000  }
0x25: {  	s24 =	sadd.s32 $0x41200, s20;
	s30 =	ssub.s32 $0x2, s21;
	[sflag:s13] =	ssyncset.done $0x0  }
0x26: {  	s31 =	sshrl.u32 s30, $0x1;
	s20 =	sadd.s32 s24, s22;
	[sflag:s13] =	ssyncadd.s32 $0xFFFF8000  }
0x27: {  	[hbm4b:s20+s4] =	stream.linear.scatter [tilespmem:s11], [sflag:$0x3], $0x8000, $0x38;
	[tilespmem:$0x10400] =	vst v63  }
0x28: {  	s22 =	ssub.s32 s30, s31;
	_ =	swait.ge [sflag:s15], $0x8000  }
0x29: {  	s22 =	smax.u32 s22, $0x1;
	[sflag:s15] =	ssyncset.done $0x0  }
0x2a: {  	s21 =	sadd.s32 s24, s23;
	p0 =	sne.s32 s22, $0x1;
	[sflag:s15] =	ssyncadd.s32 $0xFFFF8000  }
0x2b: {  	[hbm4b:s21+s4] =	stream.linear.scatter [tilespmem:s12], [sflag:$0x4], $0x8000, $0x38;
	[tilespmem:$0x10400] =	vst v63  }
.Ltmp0:
0x2c: {  	_ =	swait.ge [sflag:s17], $0x8000;
	(pc) =	sbr.rel @!p0 .LBB2_2-.Ltmp0, $4  }
0x2d: {  	[sflag:s17] =	ssyncset.done $0x0  }
0x2e: {  	[sflag:s17] =	ssyncadd.s32 $0xFFFF8000  }
0x2f: {  	_ =	swait.ge [sflag:s18], $0x8000  }
0x30: {  	s22 =	sadd.s32 $0xFFFFFFFF, s22;
	[sflag:s18] =	ssyncset.done $0x0  }
.LBB2_1:
0x31: {  	p0 =	sne.s32 s22, $0x1;
	s22 =	sadd.s32 $0xFFFFFFFF, s22;
	[sflag:s18] =	ssyncadd.s32 $0xFFFF8000  }
0x32: {  	[tilespmem:s4], [sflag:$0x5] =	stream.strided.gather [hbm4b:s5+s6], $0x200, s7, s6, $0x38;
	[tilespmem:$0x10400] =	vst v63  }
0x33: {  	_ =	swait.ge [sflag:s8], $0x200  }
0x34: {  	[sflag:s8] =	ssyncset.done $0x0  }
0x35: {  	[sflag:s8] =	ssyncadd.s32 $0xFFFFFE00  }
0x36: {  	[tilespmem:s10], [sflag:$0x5] =	stream.strided.gather [hbm4b:s9+s6], $0x200, s7, s6, $0x38;
	[tilespmem:$0x10400] =	vst v63  }
0x37: {  	_ =	swait.ge [sflag:s8], $0x200  }
0x38: {  	[sflag:s8] =	ssyncset.done $0x0  }
0x39: {  	[sflag:s8] =	ssyncadd.s32 $0xFFFFFE00  }
0x3a: {  	[tilespmem:s11], [sflag:$0x1] =	stream.indirect.gather [hbm4b:s1+s7], $0x80, s4, s7, $0xb8;
	[tilespmem:$0x10400] =	vst v63  }
0x3b: {  	_ = 	snop  }
0x3c: {  	[tilespmem:s12], [sflag:$0x2] =	stream.indirect.gather [hbm4b:s1+s7], $0x80, s7, s7, $0xb8;
	[tilespmem:$0x10400] =	vst v63  }
0x3d: {  	_ =	swait.ge [sflag:s13], $0x8000  }
0x3e: {  	[sflag:s13] =	ssyncset.done $0x0  }
0x3f: {  	[sflag:s13] =	ssyncadd.s32 $0xFFFF8000  }
0x40: {  	[hbm4b:s14+s4] =	stream.linear.scatter [tilespmem:s11], [sflag:$0x3], $0x8000, $0x38;
	[tilespmem:$0x10400] =	vst v63  }
0x41: {  	_ =	swait.ge [sflag:s15], $0x8000  }
0x42: {  	[sflag:s15] =	ssyncset.done $0x0  }
0x43: {  	[sflag:s15] =	ssyncadd.s32 $0xFFFF8000  }
0x44: {  	[hbm4b:s16+s4] =	stream.linear.scatter [tilespmem:s12], [sflag:$0x4], $0x8000, $0x38;
	[tilespmem:$0x10400] =	vst v63  }
0x45: {  	_ =	swait.ge [sflag:s17], $0x8000  }
0x46: {  	[sflag:s17] =	ssyncset.done $0x0  }
0x47: {  	[sflag:s17] =	ssyncadd.s32 $0xFFFF8000  }
0x48: {  	[tilespmem:s11], [sflag:$0x1] =	stream.indirect.gather [hbm4b:s2+s7], $0x80, s10, s7, $0xb8;
	[tilespmem:$0x10400] =	vst v63  }
0x49: {  	_ =	swait.ge [sflag:s18], $0x8000  }
0x4a: {  	[sflag:s18] =	ssyncset.done $0x0  }
0x4b: {  	[sflag:s18] =	ssyncadd.s32 $0xFFFF8000  }
0x4c: {  	[tilespmem:s12], [sflag:$0x2] =	stream.indirect.gather [hbm4b:s2+s7], $0x80, s19, s7, $0xb8;
	[tilespmem:$0x10400] =	vst v63  }
0x4d: {  	_ =	swait.ge [sflag:s13], $0x8000  }
0x4e: {  	[sflag:s13] =	ssyncset.done $0x0  }
0x4f: {  	[sflag:s13] =	ssyncadd.s32 $0xFFFF8000  }
0x50: {  	[hbm4b:s20+s4] =	stream.linear.scatter [tilespmem:s11], [sflag:$0x3], $0x8000, $0x38;
	[tilespmem:$0x10400] =	vst v63  }
0x51: {  	_ =	swait.ge [sflag:s15], $0x8000  }
0x52: {  	[sflag:s15] =	ssyncset.done $0x0  }
0x53: {  	[sflag:s15] =	ssyncadd.s32 $0xFFFF8000  }
0x54: {  	[hbm4b:s21+s4] =	stream.linear.scatter [tilespmem:s12], [sflag:$0x4], $0x8000, $0x38;
	[tilespmem:$0x10400] =	vst v63  }
.Ltmp1:
0x55: {  	_ =	swait.ge [sflag:s17], $0x8000;
	(pc) =	sbr.rel @p0 .LBB2_1-.Ltmp1, $4  }
0x56: {  	[sflag:s17] =	ssyncset.done $0x0  }
0x57: {  	[sflag:s17] =	ssyncadd.s32 $0xFFFF8000  }
0x58: {  	_ =	swait.ge [sflag:s18], $0x8000  }
0x59: {  	[sflag:s18] =	ssyncset.done $0x0  }
.LBB2_2:
0x5a: {  	[sflag:s18] =	ssyncadd.s32 $0xFFFF8000  }
0x5b: {  	_ =	sfence.sel $0x180000  }
0x5c: {  	[bflag:$0x0] =	sbarrier.arrive $0xFFFF  }
0x5d: {  	p0 =	sne.s32 s0, $0x0;
	_ =	strace $0x90000047  }
0x5e: {  	s0 =	sadd.s32 @!p0 $0x100000, s3;
	[bflag:$0x2] =	sbarrier.arrive $0xFFFF  }
0x5f: {  	[sflag:s0] =	ssyncadd.tile.s32 @!p0 $0x1;
	_ =	shalt  }
.Lfunc_end2:
_tile_overlayer_lowered:
.L_overlay_start_2:
0x60: {  	(tag) =	ssettag $0x2  }
0x61: {  	s0 =	rddreg [dreg:$0x0];
	s2 =	stileid.u32  }
0x62: {  	s1 =	rddreg [dreg:$0x1];
	p0 =	sne.s32 s2, $0x0  }
0x63: {  	s3 =	rddreg [dreg:$0x2];
	[bflag:$0x3] =	sbarrier.arrive $0xFFFF;
	s2 =	simm.s32 @!p0 $0x1C05  }
0x64: {  	[timem:s3], [sflag:s2] =	dma.local @!p0 [hbm:s0], s1  }
0x65: {  	s0 =	simm.s32 @!p0 $0x5  }
0x66: {  	_ =	swait.ge @!p0 [sflag:s0], s1  }
0x67: {  	s1 =	ssub.s32 @!p0 $0x0, s1;
	[sflag:s0] =	ssyncset.done @!p0 $0x0  }
0x68: {  	[sflag:s0] =	ssyncadd.s32 @!p0 s1  }
0x69: {  	[bflag:$0x3] =	sbarrier.arrive $0xFFFF  }
0x6a: {  	_ =	shalt  }

</sc_bundles>
